<compile_context>
chip_gen: v7x
topology: tpu7x:2x2x1
jax: 0.10.2.dev20260603
libtpu: 0.0.44.dev20260713+nightly
codegen_flags: <defaults>
</compile_context>

<pallas_src>
import functools

import numpy as np

import jax
import jax.numpy as jnp
from jax import lax
from jax.experimental import pallas as pl
from jax.experimental.pallas import tpu as pltpu
from jax.experimental.pallas import tpu_sc as plsc

N = 10000
E = 320000
F_IN = 128
HID = 128
HX = 64
C = 40

BLK = 5000
NW = 32
EW = E // NW
L = 16


def _tc_body(x_ref, ym_ref, w1_ref, b1_ref, w2_ref, b2_ref,
             wx_ref, bx_ref, pew_ref, peb_ref,
             ylp_ref, ab_ref):
    x = x_ref[...]
    h = jnp.maximum(x @ w1_ref[...] + b1_ref[...], 0.0)
    logits = h @ w2_ref[...] + b2_ref[...]
    mx = jnp.max(logits, axis=-1, keepdims=True)
    ex = jnp.exp(logits - mx)
    s = jnp.sum(ex, axis=-1, keepdims=True)
    lse = jnp.log(s) + mx
    ylp = logits - lse
    ylp_ref[...] = ylp
    yprob = ex * (1.0 / s)
    yf = ym_ref[:, 0:1]
    m = ym_ref[:, 1:2]
    onehot = (lax.broadcasted_iota(jnp.int32, (BLK, C), 1).astype(jnp.float32)
              == yf).astype(jnp.float32)
    ypeff = onehot * m + yprob * (1.0 - m)
    xe = jnp.maximum(x @ wx_ref[...] + bx_ref[...], 0.0)
    pw = pew_ref[...]
    wabx = jnp.concatenate([pw[0:HX], pw[HX:2 * HX]], axis=1)
    waby = jnp.concatenate([pw[2 * HX:2 * HX + C], pw[2 * HX + C:]], axis=1)
    peb = jnp.concatenate([peb_ref[...], jnp.zeros((1, 1), jnp.float32)],
                          axis=1)
    ab_ref[...] = xe @ wabx + ypeff @ waby + peb


def _node_stage(x, ym, fc1_w, fc1_b2, fc2_w, fc2_b2, xenc_w, xenc_b2,
                pe_w, pe_b2):
    grid = (N // BLK,)
    full = lambda shape: pl.BlockSpec(shape, lambda i: (0, 0))
    blk = lambda w: pl.BlockSpec((BLK, w), lambda i: (i, 0))
    return pl.pallas_call(
        _tc_body,
        grid=grid,
        in_specs=[
            blk(F_IN), blk(2),
            full((F_IN, HID)), full((1, HID)),
            full((HID, C)), full((1, C)),
            full((F_IN, HX)), full((1, HX)),
            full((2 * (HX + C), 1)), full((1, 1)),
        ],
        out_specs=[blk(C), blk(2)],
        out_shape=[
            jax.ShapeDtypeStruct((N, C), jnp.float32),
            jax.ShapeDtypeStruct((N, 2), jnp.float32),
        ],
    )(x, ym, fc1_w, fc1_b2, fc2_w, fc2_b2, xenc_w, xenc_b2,
      pe_w, pe_b2)


def _sc_edge_body(ab_hbm, ei_hbm, nsrc_hbm, ndst_hbm, pos_out, neg_out,
                  ab_v, src_v, dst_v, nsrc_v, ndst_v, out_v, out2_v,
                  sem, sem2):
    wid = lax.axis_index("s") * 2 + lax.axis_index("c")
    base = wid * EW
    pos_copies = [
        pltpu.async_copy(ab_hbm, ab_v, sem),
        pltpu.async_copy(ei_hbm.at[pl.ds(base, EW)], src_v, sem),
        pltpu.async_copy(ei_hbm.at[pl.ds(E + base, EW)], dst_v, sem),
    ]
    neg_copies = [
        pltpu.async_copy(nsrc_hbm.at[pl.ds(base, EW)], nsrc_v, sem2),
        pltpu.async_copy(ndst_hbm.at[pl.ds(base, EW)], ndst_v, sem2),
    ]
    for c in pos_copies:
        c.wait()

    @plsc.parallel_loop(0, EW, step=L, unroll=4)
    def _pos(off):
        idx_s = src_v[pl.ds(off, L)]
        idx_d = dst_v[pl.ds(off, L)]
        va = plsc.load_gather(ab_v, [idx_s + idx_s])
        vb = plsc.load_gather(ab_v, [idx_d + idx_d + 1])
        out_v[pl.ds(off, L)] = va + vb

    cp = pltpu.async_copy(out_v, pos_out.at[0, pl.ds(base, EW)], sem)
    for c in neg_copies:
        c.wait()

    @plsc.parallel_loop(0, EW, step=L, unroll=4)
    def _neg(off):
        idx_s = nsrc_v[pl.ds(off, L)]
        idx_d = ndst_v[pl.ds(off, L)]
        va = plsc.load_gather(ab_v, [idx_s + idx_s])
        vb = plsc.load_gather(ab_v, [idx_d + idx_d + 1])
        out2_v[pl.ds(off, L)] = va + vb

    cp.wait()
    pltpu.sync_copy(out2_v, neg_out.at[0, pl.ds(base, EW)])


@functools.cache
def _make_sc_edge():
    return pl.kernel(
        _sc_edge_body,
        out_type=(
            jax.ShapeDtypeStruct((1, E), jnp.float32),
            jax.ShapeDtypeStruct((1, E), jnp.float32),
        ),
        mesh=plsc.VectorSubcoreMesh(core_axis_name="c", subcore_axis_name="s",
                                    num_cores=2, num_subcores=16),
        scratch_types=[
            pltpu.VMEM((2 * N,), jnp.float32),
            pltpu.VMEM((EW,), jnp.int32),
            pltpu.VMEM((EW,), jnp.int32),
            pltpu.VMEM((EW,), jnp.int32),
            pltpu.VMEM((EW,), jnp.int32),
            pltpu.VMEM((EW,), jnp.float32),
            pltpu.VMEM((EW,), jnp.float32),
            pltpu.SemaphoreType.DMA,
            pltpu.SemaphoreType.DMA,
        ],
        compiler_params=pltpu.CompilerParams(needs_layout_passes=False,
                                             use_tc_tiling_on_sc=False),
    )


def _tf2x32(k1, k2, x1, x2):
    rot = [np.uint32(r) for r in (13, 15, 26, 6, 17, 29, 16, 24)]

    def rotl(v, r):
        return (v << r) | (v >> np.uint32(32 - int(r)))

    def rounds(x0, x1, rs):
        for r in rs:
            x0 = x0 + x1
            x1 = rotl(x1, r)
            x1 = x1 ^ x0
        return x0, x1

    ks = [k1, k2, k1 ^ k2 ^ np.uint32(0x1BD11BDA)]
    x0, x1 = x1 + ks[0], x2 + ks[1]
    x0, x1 = rounds(x0, x1, rot[0:4])
    x0, x1 = x0 + ks[1], x1 + ks[2] + np.uint32(1)
    x0, x1 = rounds(x0, x1, rot[4:8])
    x0, x1 = x0 + ks[2], x1 + ks[0] + np.uint32(2)
    x0, x1 = rounds(x0, x1, rot[0:4])
    x0, x1 = x0 + ks[0], x1 + ks[1] + np.uint32(3)
    x0, x1 = rounds(x0, x1, rot[4:8])
    x0, x1 = x0 + ks[1], x1 + ks[2] + np.uint32(4)
    x0, x1 = rounds(x0, x1, rot[0:4])
    x0, x1 = x0 + ks[2], x1 + ks[0] + np.uint32(5)
    return x0, x1


def _random_bits32(k, size):
    idx = np.arange(size, dtype=np.uint64)
    c1 = (idx >> np.uint64(32)).astype(np.uint32)
    c2 = (idx & np.uint64(0xFFFFFFFF)).astype(np.uint32)
    b1, b2 = _tf2x32(k[0], k[1], c1, c2)
    return b1 ^ b2


@functools.cache
def _neg_edges():
    with np.errstate(over="ignore"):
        c1 = np.zeros(2, np.uint32)
        c2 = np.arange(2, dtype=np.uint32)
        b1, b2 = _tf2x32(np.uint32(0), np.uint32(42), c1, c2)
        hi = _random_bits32((b1[0], b2[0]), 2 * E)
        lo = _random_bits32((b1[1], b2[1]), 2 * E)
        span = np.uint32(N)
        mult = np.uint32(((2 ** 16) % N) ** 2 % N)
        off = ((hi % span) * mult + (lo % span)) % span
    arr = off.astype(np.int32).reshape(2, E)
    return np.ascontiguousarray(arr[0]), np.ascontiguousarray(arr[1])


def kernel(x, edge_index, y, train_mask, fc1_w, fc1_b, fc2_w, fc2_b,
           xenc_w, xenc_b, pe_w, pe_b):
    ym = jnp.stack([y.astype(jnp.float32),
                    train_mask.astype(jnp.float32)], axis=1)
    ylp, ab2 = _node_stage(
        x, ym, fc1_w, fc1_b.reshape(1, HID), fc2_w, fc2_b.reshape(1, C),
        xenc_w, xenc_b.reshape(1, HX), pe_w, pe_b.reshape(1, 1))
    ab_flat = ab2.reshape(2 * N)

    nsrc, ndst = _neg_edges()
    e_pos, e_neg = _make_sc_edge()(ab_flat, edge_index.reshape(2 * E),
                                   jnp.asarray(nsrc), jnp.asarray(ndst))
    return (e_pos.reshape(E, 1), e_neg.reshape(E, 1), ylp)

# --- scband reference (transcript-rebuilt; emitter-appended) ---
"""Pipeline reference for scband-gen-gnn-16887811408662 (READ-ONLY COPY).

The authoritative reference and input builder live on the scoring server;
editing this copy changes nothing except your own understanding.
"""

import jax, jax.numpy as jnp
import numpy as np

N = 10000
E = 320000
F_IN = 128
HID = 128
HX = 64
C = 40
TEMP = 1.0


def setup_inputs(seed: int = 0) -> dict:
    key = jax.random.key(seed)
    ks = jax.random.split(key, 12)
    x = jax.random.normal(ks[0], (N, F_IN), dtype=jnp.float32)
    edge_index = jax.random.randint(ks[1], (2, E), 0, N, dtype=jnp.int32)
    y = jax.random.randint(ks[2], (N,), 0, C, dtype=jnp.int32)
    train_mask = jax.random.randint(ks[3], (N,), 0, 2, dtype=jnp.int32).astype(jnp.bool_)
    # learned parameters (LSM generative GNN)
    fc1_w = jax.random.normal(ks[4], (F_IN, HID), dtype=jnp.float32) * (1.0 / np.sqrt(F_IN))
    fc1_b = jnp.zeros((HID,), dtype=jnp.float32)
    fc2_w = jax.random.normal(ks[5], (HID, C), dtype=jnp.float32) * (1.0 / np.sqrt(HID))
    fc2_b = jnp.zeros((C,), dtype=jnp.float32)
    xenc_w = jax.random.normal(ks[6], (F_IN, HX), dtype=jnp.float32) * (1.0 / np.sqrt(F_IN))
    xenc_b = jnp.zeros((HX,), dtype=jnp.float32)
    pe_w = jax.random.normal(ks[7], (2 * (HX + C), 1), dtype=jnp.float32) * (1.0 / np.sqrt(2 * (HX + C)))
    pe_b = jnp.zeros((1,), dtype=jnp.float32)
    return {"x": x, "edge_index": edge_index, "y": y, "train_mask": train_mask,
            "fc1_w": fc1_w, "fc1_b": fc1_b, "fc2_w": fc2_w, "fc2_b": fc2_b,
            "xenc_w": xenc_w, "xenc_b": xenc_b, "pe_w": pe_w, "pe_b": pe_b}


def reference(x, edge_index, y, train_mask, fc1_w, fc1_b, fc2_w, fc2_b, xenc_w, xenc_b, pe_w, pe_b):
    # p_y_x MLP (dropout inactive at eval)
    h = jax.nn.relu(x @ fc1_w + fc1_b)
    logits = (h @ fc2_w + fc2_b) / TEMP
    y_log_prob = jax.nn.log_softmax(logits, axis=-1)
    y_prob = jnp.exp(y_log_prob)
    onehot = jax.nn.one_hot(y, C, dtype=y_prob.dtype)
    y_prob = jnp.where(train_mask[:, None], onehot, y_prob)
    # node encoder
    xe = jax.nn.relu(x @ xenc_w + xenc_b)
    # positive edges: per-edge gathers (memory bound)
    src = edge_index[0]
    dst = edge_index[1]
    xy_pos = jnp.concatenate([jnp.take(xe, src, axis=0), jnp.take(xe, dst, axis=0),
                              jnp.take(y_prob, src, axis=0), jnp.take(y_prob, dst, axis=0)], axis=1)
    e_pred_pos = xy_pos @ pe_w + pe_b
    # negative edges (neg_ratio = 1.0), sampled uniformly
    nk = jax.random.key(42)
    edge_index_neg = jax.random.randint(nk, (2, E), 0, N, dtype=jnp.int32)
    nsrc = edge_index_neg[0]
    ndst = edge_index_neg[1]
    xy_neg = jnp.concatenate([jnp.take(xe, nsrc, axis=0), jnp.take(xe, ndst, axis=0),
                              jnp.take(y_prob, nsrc, axis=0), jnp.take(y_prob, ndst, axis=0)], axis=1)
    e_pred_neg = xy_neg @ pe_w + pe_b
    return (e_pred_pos, e_pred_neg, y_log_prob)

if __name__ == "__main__":
    import jax
    _d = setup_inputs()
    print(jax.jit(kernel)(*tuple(_d.values())))

</pallas_src>

<mosaic_0001>
#map = affine_map<(d0, d1) -> (0)>
#map1 = affine_map<(d0, d1) -> (0, 0)>
module attributes {stable_mosaic.version = 14 : i64} {
  func.func @_sc_edge_body(%arg0: i32, %arg1: i32, %arg2: memref<20000xf32, #tpu.memory_space<hbm>>, %arg3: memref<640000xi32, #tpu.memory_space<hbm>>, %arg4: memref<320000xi32, #tpu.memory_space<hbm>>, %arg5: memref<320000xi32, #tpu.memory_space<hbm>>, %arg6: memref<1x320000xf32, #tpu.memory_space<hbm>>, %arg7: memref<1x320000xf32, #tpu.memory_space<hbm>>, %arg8: memref<20000xf32, #tpu.memory_space<vmem>>, %arg9: memref<10000xi32, #tpu.memory_space<vmem>>, %arg10: memref<10000xi32, #tpu.memory_space<vmem>>, %arg11: memref<10000xi32, #tpu.memory_space<vmem>>, %arg12: memref<10000xi32, #tpu.memory_space<vmem>>, %arg13: memref<10000xf32, #tpu.memory_space<vmem>>, %arg14: memref<10000xf32, #tpu.memory_space<vmem>>, %arg15: memref<!tpu.dma_semaphore, #tpu.memory_space<semaphore_mem>>, %arg16: memref<!tpu.dma_semaphore, #tpu.memory_space<semaphore_mem>>) attributes {dimension_semantics = [#tpu.dimension_semantics<core_parallel>, #tpu.dimension_semantics<subcore_parallel>], iteration_bounds = array<i64: 2, 16>, scalar_prefetch = 0 : i64, scratch_operands = 9 : i64, tpu.core_type = #tpu.core_type<sc_vector_subcore>, window_params = [{transform_indices = #map}, {transform_indices = #map}, {transform_indices = #map}, {transform_indices = #map}, {transform_indices = #map1}, {transform_indices = #map1}]} {
    %mul3A = arith.constant 2 : i32
    %mul3A_0 = arith.muli %arg1, %mul3A : i32
    %add3A = arith.addi %mul3A_0, %arg0 : i32
    %mul3A_1 = arith.constant 10000 : i32
    %mul3A_2 = arith.muli %add3A, %mul3A_1 : i32
    tpu.enqueue_dma source(%arg2 : memref<20000xf32, #tpu.memory_space<hbm>>) target(%arg8 : memref<20000xf32, #tpu.memory_space<vmem>>) target_semaphore(%arg15 : memref<!tpu.dma_semaphore, #tpu.memory_space<semaphore_mem>>)
    %dma_start3A = tpu.memref_slice %arg3[%mul3A_2] : memref<640000xi32, #tpu.memory_space<hbm>> -> memref<10000xi32, #tpu.memory_space<hbm>>
    %dma_start3A_3 = tpu.memref_slice %arg3[%mul3A_2] : memref<640000xi32, #tpu.memory_space<hbm>> -> memref<10000xi32, #tpu.memory_space<hbm>>
    tpu.enqueue_dma source(%dma_start3A_3 : memref<10000xi32, #tpu.memory_space<hbm>>) target(%arg9 : memref<10000xi32, #tpu.memory_space<vmem>>) target_semaphore(%arg15 : memref<!tpu.dma_semaphore, #tpu.memory_space<semaphore_mem>>)
    %add3A_4 = arith.constant 320000 : i32
    %add3A_5 = arith.addi %add3A_4, %mul3A_2 : i32
    %dma_start3A_6 = tpu.memref_slice %arg3[%add3A_5] : memref<640000xi32, #tpu.memory_space<hbm>> -> memref<10000xi32, #tpu.memory_space<hbm>>
    %dma_start3A_7 = tpu.memref_slice %arg3[%add3A_5] : memref<640000xi32, #tpu.memory_space<hbm>> -> memref<10000xi32, #tpu.memory_space<hbm>>
    tpu.enqueue_dma source(%dma_start3A_7 : memref<10000xi32, #tpu.memory_space<hbm>>) target(%arg10 : memref<10000xi32, #tpu.memory_space<vmem>>) target_semaphore(%arg15 : memref<!tpu.dma_semaphore, #tpu.memory_space<semaphore_mem>>)
    %dma_start3A_8 = tpu.memref_slice %arg4[%mul3A_2] : memref<320000xi32, #tpu.memory_space<hbm>> -> memref<10000xi32, #tpu.memory_space<hbm>>
    %dma_start3A_9 = tpu.memref_slice %arg4[%mul3A_2] : memref<320000xi32, #tpu.memory_space<hbm>> -> memref<10000xi32, #tpu.memory_space<hbm>>
    tpu.enqueue_dma source(%dma_start3A_9 : memref<10000xi32, #tpu.memory_space<hbm>>) target(%arg11 : memref<10000xi32, #tpu.memory_space<vmem>>) target_semaphore(%arg16 : memref<!tpu.dma_semaphore, #tpu.memory_space<semaphore_mem>>)
    %dma_start3A_10 = tpu.memref_slice %arg5[%mul3A_2] : memref<320000xi32, #tpu.memory_space<hbm>> -> memref<10000xi32, #tpu.memory_space<hbm>>
    %dma_start3A_11 = tpu.memref_slice %arg5[%mul3A_2] : memref<320000xi32, #tpu.memory_space<hbm>> -> memref<10000xi32, #tpu.memory_space<hbm>>
    tpu.enqueue_dma source(%dma_start3A_11 : memref<10000xi32, #tpu.memory_space<hbm>>) target(%arg12 : memref<10000xi32, #tpu.memory_space<vmem>>) target_semaphore(%arg16 : memref<!tpu.dma_semaphore, #tpu.memory_space<semaphore_mem>>)
    tpu.wait_dma2 semaphore(%arg15 : memref<!tpu.dma_semaphore, #tpu.memory_space<semaphore_mem>>) src(%arg2 : memref<20000xf32, #tpu.memory_space<hbm>>) dst(%arg8 : memref<20000xf32, #tpu.memory_space<vmem>>)
    %dma_wait3A = tpu.memref_slice %arg3[%mul3A_2] : memref<640000xi32, #tpu.memory_space<hbm>> -> memref<10000xi32, #tpu.memory_space<hbm>>
    %dma_wait3A_12 = tpu.memref_slice %arg3[%mul3A_2] : memref<640000xi32, #tpu.memory_space<hbm>> -> memref<10000xi32, #tpu.memory_space<hbm>>
    tpu.wait_dma2 semaphore(%arg15 : memref<!tpu.dma_semaphore, #tpu.memory_space<semaphore_mem>>) src(%dma_wait3A_12 : memref<10000xi32, #tpu.memory_space<hbm>>) dst(%arg9 : memref<10000xi32, #tpu.memory_space<vmem>>)
    %dma_wait3A_13 = tpu.memref_slice %arg3[%add3A_5] : memref<640000xi32, #tpu.memory_space<hbm>> -> memref<10000xi32, #tpu.memory_space<hbm>>
    %dma_wait3A_14 = tpu.memref_slice %arg3[%add3A_5] : memref<640000xi32, #tpu.memory_space<hbm>> -> memref<10000xi32, #tpu.memory_space<hbm>>
    tpu.wait_dma2 semaphore(%arg15 : memref<!tpu.dma_semaphore, #tpu.memory_space<semaphore_mem>>) src(%dma_wait3A_14 : memref<10000xi32, #tpu.memory_space<hbm>>) dst(%arg10 : memref<10000xi32, #tpu.memory_space<vmem>>)
    %parallel_loop3A = arith.constant 0 : i32
    %parallel_loop3A_15 = arith.constant 10000 : i32
    %parallel_loop3A_16 = arith.constant 16 : i32
    scf.for %parallel_loop3A_34 = %parallel_loop3A to %parallel_loop3A_15 step %parallel_loop3A_16  : i32 {
      %parallel_loop3A_35 = arith.index_cast %parallel_loop3A_34 : i32 to index
      %parallel_loop3A_36 = tpu.vector_load %arg9[%parallel_loop3A_35] {strides = array<i32>} : memref<10000xi32, #tpu.memory_space<vmem>>, vector<16xi32>,
      %parallel_loop3A_37 = arith.index_cast %parallel_loop3A_34 : i32 to index
      %parallel_loop3A_38 = tpu.vector_load %arg10[%parallel_loop3A_37] {strides = array<i32>} : memref<10000xi32, #tpu.memory_space<vmem>>, vector<16xi32>,
      %parallel_loop3A_39 = arith.addi %parallel_loop3A_36, %parallel_loop3A_36 : vector<16xi32>
      %parallel_loop3A_40 = tpu.vector_load_idx %arg8[%parallel_loop3A_39] : memref<20000xf32, #tpu.memory_space<vmem>>[vector<16xi32>], vector<16xf32>,
      %parallel_loop3A_41 = arith.addi %parallel_loop3A_38, %parallel_loop3A_38 : vector<16xi32>
      %parallel_loop3A_42 = arith.constant 1 : i32
      %parallel_loop3A_43 = vector.broadcast %parallel_loop3A_42 : i32 to vector<16xi32>
      %parallel_loop3A_44 = arith.addi %parallel_loop3A_41, %parallel_loop3A_43 : vector<16xi32>
      %parallel_loop3A_45 = tpu.vector_load_idx %arg8[%parallel_loop3A_44] : memref<20000xf32, #tpu.memory_space<vmem>>[vector<16xi32>], vector<16xf32>,
      %parallel_loop3A_46 = arith.addf %parallel_loop3A_40, %parallel_loop3A_45 : vector<16xf32>
      %parallel_loop3A_47 = arith.index_cast %parallel_loop3A_34 : i32 to index
      %parallel_loop3A_48 = tpu.vector_load %arg13[%parallel_loop3A_47] {strides = array<i32>} : memref<10000xf32, #tpu.memory_space<vmem>>, vector<16xf32>,
      tpu.vector_store %arg13[%parallel_loop3A_47], %parallel_loop3A_46 {strides = array<i32>} : memref<10000xf32, #tpu.memory_space<vmem>>, vector<16xf32>,
    } {sc.loop_unroll_factor = 4 : i64, sc.parallel_access}
    %dma_start3A_17 = arith.constant 0 : i32
    %dma_start3A_18 = tpu.memref_slice %arg6[%dma_start3A_17, %mul3A_2] : memref<1x320000xf32, #tpu.memory_space<hbm>> -> memref<1x10000xf32, #tpu.memory_space<hbm>>
    %dma_start3A_19 = tpu.memref_squeeze %dma_start3A_18 : memref<1x10000xf32, #tpu.memory_space<hbm>> -> memref<10000xf32, #tpu.memory_space<hbm>>
    %dma_start3A_20 = tpu.memref_slice %arg6[%dma_start3A_17, %mul3A_2] : memref<1x320000xf32, #tpu.memory_space<hbm>> -> memref<1x10000xf32, #tpu.memory_space<hbm>>
    %dma_start3A_21 = tpu.memref_squeeze %dma_start3A_20 : memref<1x10000xf32, #tpu.memory_space<hbm>> -> memref<10000xf32, #tpu.memory_space<hbm>>
    tpu.enqueue_dma source(%arg13 : memref<10000xf32, #tpu.memory_space<vmem>>) target(%dma_start3A_21 : memref<10000xf32, #tpu.memory_space<hbm>>) target_semaphore(%arg15 : memref<!tpu.dma_semaphore, #tpu.memory_space<semaphore_mem>>)
    %dma_wait3A_22 = tpu.memref_slice %arg4[%mul3A_2] : memref<320000xi32, #tpu.memory_space<hbm>> -> memref<10000xi32, #tpu.memory_space<hbm>>
    %dma_wait3A_23 = tpu.memref_slice %arg4[%mul3A_2] : memref<320000xi32, #tpu.memory_space<hbm>> -> memref<10000xi32, #tpu.memory_space<hbm>>
    tpu.wait_dma2 semaphore(%arg16 : memref<!tpu.dma_semaphore, #tpu.memory_space<semaphore_mem>>) src(%dma_wait3A_23 : memref<10000xi32, #tpu.memory_space<hbm>>) dst(%arg11 : memref<10000xi32, #tpu.memory_space<vmem>>)
    %dma_wait3A_24 = tpu.memref_slice %arg5[%mul3A_2] : memref<320000xi32, #tpu.memory_space<hbm>> -> memref<10000xi32, #tpu.memory_space<hbm>>
    %dma_wait3A_25 = tpu.memref_slice %arg5[%mul3A_2] : memref<320000xi32, #tpu.memory_space<hbm>> -> memref<10000xi32, #tpu.memory_space<hbm>>
    tpu.wait_dma2 semaphore(%arg16 : memref<!tpu.dma_semaphore, #tpu.memory_space<semaphore_mem>>) src(%dma_wait3A_25 : memref<10000xi32, #tpu.memory_space<hbm>>) dst(%arg12 : memref<10000xi32, #tpu.memory_space<vmem>>)
    %parallel_loop3A_26 = arith.constant 0 : i32
    %parallel_loop3A_27 = arith.constant 10000 : i32
    %parallel_loop3A_28 = arith.constant 16 : i32
    scf.for %parallel_loop3A_34 = %parallel_loop3A_26 to %parallel_loop3A_27 step %parallel_loop3A_28  : i32 {
      %parallel_loop3A_35 = arith.index_cast %parallel_loop3A_34 : i32 to index
      %parallel_loop3A_36 = tpu.vector_load %arg11[%parallel_loop3A_35] {strides = array<i32>} : memref<10000xi32, #tpu.memory_space<vmem>>, vector<16xi32>,
      %parallel_loop3A_37 = arith.index_cast %parallel_loop3A_34 : i32 to index
      %parallel_loop3A_38 = tpu.vector_load %arg12[%parallel_loop3A_37] {strides = array<i32>} : memref<10000xi32, #tpu.memory_space<vmem>>, vector<16xi32>,
      %parallel_loop3A_39 = arith.addi %parallel_loop3A_36, %parallel_loop3A_36 : vector<16xi32>
      %parallel_loop3A_40 = tpu.vector_load_idx %arg8[%parallel_loop3A_39] : memref<20000xf32, #tpu.memory_space<vmem>>[vector<16xi32>], vector<16xf32>,
      %parallel_loop3A_41 = arith.addi %parallel_loop3A_38, %parallel_loop3A_38 : vector<16xi32>
      %parallel_loop3A_42 = arith.constant 1 : i32
      %parallel_loop3A_43 = vector.broadcast %parallel_loop3A_42 : i32 to vector<16xi32>
      %parallel_loop3A_44 = arith.addi %parallel_loop3A_41, %parallel_loop3A_43 : vector<16xi32>
      %parallel_loop3A_45 = tpu.vector_load_idx %arg8[%parallel_loop3A_44] : memref<20000xf32, #tpu.memory_space<vmem>>[vector<16xi32>], vector<16xf32>,
      %parallel_loop3A_46 = arith.addf %parallel_loop3A_40, %parallel_loop3A_45 : vector<16xf32>
      %parallel_loop3A_47 = arith.index_cast %parallel_loop3A_34 : i32 to index
      %parallel_loop3A_48 = tpu.vector_load %arg14[%parallel_loop3A_47] {strides = array<i32>} : memref<10000xf32, #tpu.memory_space<vmem>>, vector<16xf32>,
      tpu.vector_store %arg14[%parallel_loop3A_47], %parallel_loop3A_46 {strides = array<i32>} : memref<10000xf32, #tpu.memory_space<vmem>>, vector<16xf32>,
    } {sc.loop_unroll_factor = 4 : i64, sc.parallel_access}
    %dma_wait3A_29 = arith.constant 0 : i32
    %dma_wait3A_30 = tpu.memref_slice %arg6[%dma_wait3A_29, %mul3A_2] : memref<1x320000xf32, #tpu.memory_space<hbm>> -> memref<1x10000xf32, #tpu.memory_space<hbm>>
    %dma_wait3A_31 = tpu.memref_squeeze %dma_wait3A_30 : memref<1x10000xf32, #tpu.memory_space<hbm>> -> memref<10000xf32, #tpu.memory_space<hbm>>
    %dma_wait3A_32 = tpu.memref_slice %arg6[%dma_wait3A_29, %mul3A_2] : memref<1x320000xf32, #tpu.memory_space<hbm>> -> memref<1x10000xf32, #tpu.memory_space<hbm>>
    %dma_wait3A_33 = tpu.memref_squeeze %dma_wait3A_32 : memref<1x10000xf32, #tpu.memory_space<hbm>> -> memref<10000xf32, #tpu.memory_space<hbm>>
    tpu.wait_dma2 semaphore(%arg15 : memref<!tpu.dma_semaphore, #tpu.memory_space<semaphore_mem>>) src(%arg13 : memref<10000xf32, #tpu.memory_space<vmem>>) dst(%dma_wait3A_33 : memref<10000xf32, #tpu.memory_space<hbm>>)
    %run_scoped3A = arith.constant 0 : i32
    "tpu.region"() ({
      %run_scoped3A_34 = tpu.sem_alloc : memref<!tpu.dma_semaphore, #tpu.memory_space<semaphore_mem>>
      %dma_start3A_35 = tpu.memref_slice %arg7[%run_scoped3A, %mul3A_2] : memref<1x320000xf32, #tpu.memory_space<hbm>> -> memref<1x10000xf32, #tpu.memory_space<hbm>>
      %dma_start3A_36 = tpu.memref_squeeze %dma_start3A_35 : memref<1x10000xf32, #tpu.memory_space<hbm>> -> memref<10000xf32, #tpu.memory_space<hbm>>
      %dma_start3A_37 = tpu.memref_slice %arg7[%run_scoped3A, %mul3A_2] : memref<1x320000xf32, #tpu.memory_space<hbm>> -> memref<1x10000xf32, #tpu.memory_space<hbm>>
      %dma_start3A_38 = tpu.memref_squeeze %dma_start3A_37 : memref<1x10000xf32, #tpu.memory_space<hbm>> -> memref<10000xf32, #tpu.memory_space<hbm>>
      tpu.enqueue_dma source(%arg14 : memref<10000xf32, #tpu.memory_space<vmem>>) target(%dma_start3A_38 : memref<10000xf32, #tpu.memory_space<hbm>>) target_semaphore(%run_scoped3A_34 : memref<!tpu.dma_semaphore, #tpu.memory_space<semaphore_mem>>)
      %dma_wait3A_39 = tpu.memref_slice %arg7[%run_scoped3A, %mul3A_2] : memref<1x320000xf32, #tpu.memory_space<hbm>> -> memref<1x10000xf32, #tpu.memory_space<hbm>>
      %dma_wait3A_40 = tpu.memref_squeeze %dma_wait3A_39 : memref<1x10000xf32, #tpu.memory_space<hbm>> -> memref<10000xf32, #tpu.memory_space<hbm>>
      %dma_wait3A_41 = tpu.memref_slice %arg7[%run_scoped3A, %mul3A_2] : memref<1x320000xf32, #tpu.memory_space<hbm>> -> memref<1x10000xf32, #tpu.memory_space<hbm>>
      %dma_wait3A_42 = tpu.memref_squeeze %dma_wait3A_41 : memref<1x10000xf32, #tpu.memory_space<hbm>> -> memref<10000xf32, #tpu.memory_space<hbm>>
      tpu.wait_dma2 semaphore(%run_scoped3A_34 : memref<!tpu.dma_semaphore, #tpu.memory_space<semaphore_mem>>) src(%arg14 : memref<10000xf32, #tpu.memory_space<vmem>>) dst(%dma_wait3A_42 : memref<10000xf32, #tpu.memory_space<hbm>>)
      tpu.yield
    }) : () -> ()
    return
  }
}

module attributes {stable_mosaic.version = 14 : i64} {
  func.func @_tc_body(%arg0: i32, %arg1: memref<5000x128xf32, #tpu.memory_space<vmem>>, %arg2: memref<5000x2xf32, #tpu.memory_space<vmem>>, %arg3: memref<128x128xf32, #tpu.memory_space<vmem>>, %arg4: memref<1x128xf32, #tpu.memory_space<vmem>>, %arg5: memref<128x40xf32, #tpu.memory_space<vmem>>, %arg6: memref<1x40xf32, #tpu.memory_space<vmem>>, %arg7: memref<128x64xf32, #tpu.memory_space<vmem>>, %arg8: memref<1x64xf32, #tpu.memory_space<vmem>>, %arg9: memref<208x1xf32, #tpu.memory_space<vmem>>, %arg10: memref<1x1xf32, #tpu.memory_space<vmem>>, %arg11: memref<5000x40xf32, #tpu.memory_space<vmem>>, %arg12: memref<5000x2xf32, #tpu.memory_space<vmem>>) attributes {dimension_semantics = [#tpu.dimension_semantics<arbitrary>], iteration_bounds = array<i64: 2>, scalar_prefetch = 0 : i64, scratch_operands = 0 : i64, tpu.core_type = #tpu.core_type<tc>, window_params = [{transform_indices = @transform_0, window_bounds = array<i64: 5000, 128>}, {transform_indices = @transform_1, window_bounds = array<i64: 5000, 2>}, {pipeline_mode = #tpu.pipeline_mode<synchronous>, transform_indices = @transform_2, window_bounds = array<i64: 128, 128>}, {pipeline_mode = #tpu.pipeline_mode<synchronous>, transform_indices = @transform_3, window_bounds = array<i64: 1, 128>}, {pipeline_mode = #tpu.pipeline_mode<synchronous>, transform_indices = @transform_4, window_bounds = array<i64: 128, 40>}, {pipeline_mode = #tpu.pipeline_mode<synchronous>, transform_indices = @transform_5, window_bounds = array<i64: 1, 40>}, {pipeline_mode = #tpu.pipeline_mode<synchronous>, transform_indices = @transform_6, window_bounds = array<i64: 128, 64>}, {pipeline_mode = #tpu.pipeline_mode<synchronous>, transform_indices = @transform_7, window_bounds = array<i64: 1, 64>}, {pipeline_mode = #tpu.pipeline_mode<synchronous>, transform_indices = @transform_8, window_bounds = array<i64: 208, 1>}, {pipeline_mode = #tpu.pipeline_mode<synchronous>, transform_indices = @transform_9, window_bounds = array<i64: 1, 1>}, {transform_indices = @transform_10, window_bounds = array<i64: 5000, 40>}, {transform_indices = @transform_11, window_bounds = array<i64: 5000, 2>}]} {
    %get3A = arith.constant 0 : index
    %get3A_0 = arith.constant 0 : index
    %get3A_1 = vector.load %arg1[%get3A, %get3A_0] : memref<5000x128xf32, #tpu.memory_space<vmem>>, vector<5000x128xf32>
    %get3A_2 = arith.constant 0 : index
    %get3A_3 = arith.constant 0 : index
    %get3A_4 = vector.load %arg3[%get3A_2, %get3A_3] : memref<128x128xf32, #tpu.memory_space<vmem>>, vector<128x128xf32>
    %dot_general3A = arith.constant dense<0.000000e+00> : vector<5000x128xf32>
    %dot_general3A_5 = tpu.matmul %get3A_1, %get3A_4, %dot_general3A {dimension_numbers = #tpu.dot_dimension_numbers<[1], [0], [0], [1], [0, 0, 1, 1], [], []>, transpose_lhs_hint = false} : vector<5000x128xf32>, vector<128x128xf32>, vector<5000x128xf32> -> vector<5000x128xf32>
    %get3A_6 = arith.constant 0 : index
    %get3A_7 = arith.constant 0 : index
    %get3A_8 = vector.load %arg4[%get3A_6, %get3A_7] : memref<1x128xf32, #tpu.memory_space<vmem>>, vector<1x128xf32>
    %add3A = vector.broadcast %get3A_8 : vector<1x128xf32> to vector<5000x128xf32>
    %add3A_9 = arith.addf %dot_general3A_5, %add3A : vector<5000x128xf32>
    %max3A = arith.constant 0.000000e+00 : f32
    %max3A_10 = vector.broadcast %max3A : f32 to vector<5000x128xf32>
    %max3A_11 = arith.maximumf %add3A_9, %max3A_10 : vector<5000x128xf32>
    %get3A_12 = arith.constant 0 : index
    %get3A_13 = arith.constant 0 : index
    %get3A_14 = vector.load %arg5[%get3A_12, %get3A_13] : memref<128x40xf32, #tpu.memory_space<vmem>>, vector<128x40xf32>
    %dot_general3A_15 = arith.constant dense<0.000000e+00> : vector<5000x40xf32>
    %dot_general3A_16 = tpu.matmul %max3A_11, %get3A_14, %dot_general3A_15 {dimension_numbers = #tpu.dot_dimension_numbers<[1], [0], [0], [1], [0, 0, 1, 1], [], []>, transpose_lhs_hint = false} : vector<5000x128xf32>, vector<128x40xf32>, vector<5000x40xf32> -> vector<5000x40xf32>
    %get3A_17 = arith.constant 0 : index
    %get3A_18 = arith.constant 0 : index
    %get3A_19 = vector.load %arg6[%get3A_17, %get3A_18] : memref<1x40xf32, #tpu.memory_space<vmem>>, vector<1x40xf32>
    %add3A_20 = vector.broadcast %get3A_19 : vector<1x40xf32> to vector<5000x40xf32>
    %add3A_21 = arith.addf %dot_general3A_16, %add3A_20 : vector<5000x40xf32>
    %reduce_max3A = arith.constant dense<0xFF800000> : vector<5000xf32>
    %reduce_max3A_22 = vector.multi_reduction <maximumf>, %add3A_21, %reduce_max3A [1] : vector<5000x40xf32> to vector<5000xf32>
    %broadcast_in_dim3A = vector.shape_cast %reduce_max3A_22 : vector<5000xf32> to vector<5000x1xf32>
    %sub3A = vector.broadcast %broadcast_in_dim3A : vector<5000x1xf32> to vector<5000x40xf32>
    %sub3A_23 = arith.subf %add3A_21, %sub3A : vector<5000x40xf32>
    %exp3A = math.exp %sub3A_23 : vector<5000x40xf32>
    %reduce_sum3A = arith.constant dense<0.000000e+00> : vector<5000xf32>
    %reduce_sum3A_24 = vector.multi_reduction <add>, %exp3A, %reduce_sum3A [1] : vector<5000x40xf32> to vector<5000xf32>
    %broadcast_in_dim3A_25 = vector.shape_cast %reduce_sum3A_24 : vector<5000xf32> to vector<5000x1xf32>
    %log3A = math.log %broadcast_in_dim3A_25 : vector<5000x1xf32>
    %add3A_26 = arith.addf %log3A, %broadcast_in_dim3A : vector<5000x1xf32>
    %sub3A_27 = vector.broadcast %add3A_26 : vector<5000x1xf32> to vector<5000x40xf32>
    %sub3A_28 = arith.subf %add3A_21, %sub3A_27 : vector<5000x40xf32>
    %swap3A = arith.constant 0 : index
    %swap3A_29 = arith.constant 0 : index
    %swap3A_30 = vector.load %arg11[%swap3A, %swap3A_29] : memref<5000x40xf32, #tpu.memory_space<vmem>>, vector<5000x40xf32>
    tpu.vector_store %arg11[%swap3A, %swap3A_29], %sub3A_28 {strides = array<i32>} : memref<5000x40xf32, #tpu.memory_space<vmem>>, vector<5000x40xf32>,
    %div3A = arith.constant 1.000000e+00 : f32
    %div3A_31 = vector.broadcast %div3A : f32 to vector<5000x1xf32>
    %div3A_32 = arith.divf %div3A_31, %broadcast_in_dim3A_25 : vector<5000x1xf32>
    %mul3A = vector.broadcast %div3A_32 : vector<5000x1xf32> to vector<5000x40xf32>
    %mul3A_33 = arith.mulf %exp3A, %mul3A : vector<5000x40xf32>
    %get3A_34 = arith.constant 0 : index
    %get3A_35 = arith.constant 0 : index
    %get3A_36 = vector.load %arg2[%get3A_34, %get3A_35] : memref<5000x2xf32, #tpu.memory_space<vmem>>, vector<5000x1xf32>
    %get3A_37 = arith.constant 0 : index
    %get3A_38 = arith.constant 1 : index
    %get3A_39 = vector.load %arg2[%get3A_37, %get3A_38] : memref<5000x2xf32, #tpu.memory_space<vmem>>, vector<5000x1xf32>
    %iota3A = tpu.iota {dimensions = array<i32: 1>} : vector<5000x40xi32>
    %convert_element_type3A = arith.sitofp %iota3A : vector<5000x40xi32> to vector<5000x40xf32>
    %eq3A = vector.broadcast %get3A_36 : vector<5000x1xf32> to vector<5000x40xf32>
    %eq3A_40 = arith.cmpf oeq, %convert_element_type3A, %eq3A : vector<5000x40xf32>
    %convert_element_type3A_41 = arith.extui %eq3A_40 : vector<5000x40xi1> to vector<5000x40xi32>
    %convert_element_type3A_42 = arith.sitofp %convert_element_type3A_41 : vector<5000x40xi32> to vector<5000x40xf32>
    %mul3A_43 = vector.broadcast %get3A_39 : vector<5000x1xf32> to vector<5000x40xf32>
    %mul3A_44 = arith.mulf %convert_element_type3A_42, %mul3A_43 : vector<5000x40xf32>
    %sub3A_45 = arith.constant 1.000000e+00 : f32
    %sub3A_46 = vector.broadcast %sub3A_45 : f32 to vector<5000x1xf32>
    %sub3A_47 = arith.subf %sub3A_46, %get3A_39 : vector<5000x1xf32>
    %mul3A_48 = vector.broadcast %sub3A_47 : vector<5000x1xf32> to vector<5000x40xf32>
    %mul3A_49 = arith.mulf %mul3A_33, %mul3A_48 : vector<5000x40xf32>
    %add3A_50 = arith.addf %mul3A_44, %mul3A_49 : vector<5000x40xf32>
    %get3A_51 = arith.constant 0 : index
    %get3A_52 = arith.constant 0 : index
    %get3A_53 = vector.load %arg7[%get3A_51, %get3A_52] : memref<128x64xf32, #tpu.memory_space<vmem>>, vector<128x64xf32>
    %dot_general3A_54 = arith.constant dense<0.000000e+00> : vector<5000x64xf32>
    %dot_general3A_55 = tpu.matmul %get3A_1, %get3A_53, %dot_general3A_54 {dimension_numbers = #tpu.dot_dimension_numbers<[1], [0], [0], [1], [0, 0, 1, 1], [], []>, transpose_lhs_hint = false} : vector<5000x128xf32>, vector<128x64xf32>, vector<5000x64xf32> -> vector<5000x64xf32>
    %get3A_56 = arith.constant 0 : index
    %get3A_57 = arith.constant 0 : index
    %get3A_58 = vector.load %arg8[%get3A_56, %get3A_57] : memref<1x64xf32, #tpu.memory_space<vmem>>, vector<1x64xf32>
    %add3A_59 = vector.broadcast %get3A_58 : vector<1x64xf32> to vector<5000x64xf32>
    %add3A_60 = arith.addf %dot_general3A_55, %add3A_59 : vector<5000x64xf32>
    %max3A_61 = arith.constant 0.000000e+00 : f32
    %max3A_62 = vector.broadcast %max3A_61 : f32 to vector<5000x64xf32>
    %max3A_63 = arith.maximumf %add3A_60, %max3A_62 : vector<5000x64xf32>
    %get3A_64 = arith.constant 0 : index
    %get3A_65 = arith.constant 0 : index
    %get3A_66 = vector.load %arg9[%get3A_64, %get3A_65] : memref<208x1xf32, #tpu.memory_space<vmem>>, vector<208x1xf32>
    %slice3A = vector.extract_strided_slice %get3A_66 {offsets = [0, 0], sizes = [64, 1], strides = [1, 1]} : vector<208x1xf32> to vector<64x1xf32>
    %slice3A_67 = vector.extract_strided_slice %get3A_66 {offsets = [64, 0], sizes = [64, 1], strides = [1, 1]} : vector<208x1xf32> to vector<64x1xf32>
    %concatenate3A = tpu.concatenate %slice3A, %slice3A_67 in 1 : vector<64x1xf32>, vector<64x1xf32> -> vector<64x2xf32>
    %slice3A_68 = vector.extract_strided_slice %get3A_66 {offsets = [128, 0], sizes = [40, 1], strides = [1, 1]} : vector<208x1xf32> to vector<40x1xf32>
    %slice3A_69 = vector.extract_strided_slice %get3A_66 {offsets = [168, 0], sizes = [40, 1], strides = [1, 1]} : vector<208x1xf32> to vector<40x1xf32>
    %concatenate3A_70 = tpu.concatenate %slice3A_68, %slice3A_69 in 1 : vector<40x1xf32>, vector<40x1xf32> -> vector<40x2xf32>
    %get3A_71 = arith.constant 0 : index
    %get3A_72 = arith.constant 0 : index
    %get3A_73 = vector.load %arg10[%get3A_71, %get3A_72] : memref<1x1xf32, #tpu.memory_space<vmem>>, vector<1x1xf32>
    %broadcast_in_dim3A_74 = arith.constant 0.000000e+00 : f32
    %broadcast_in_dim3A_75 = vector.broadcast %broadcast_in_dim3A_74 : f32 to vector<1x1xf32>
    %concatenate3A_76 = tpu.concatenate %get3A_73, %broadcast_in_dim3A_75 in 1 : vector<1x1xf32>, vector<1x1xf32> -> vector<1x2xf32>
    %dot_general3A_77 = arith.constant dense<0.000000e+00> : vector<5000x2xf32>
    %dot_general3A_78 = tpu.matmul %max3A_63, %concatenate3A, %dot_general3A_77 {dimension_numbers = #tpu.dot_dimension_numbers<[1], [0], [0], [1], [0, 0, 1, 1], [], []>, transpose_lhs_hint = false} : vector<5000x64xf32>, vector<64x2xf32>, vector<5000x2xf32> -> vector<5000x2xf32>
    %dot_general3A_79 = arith.constant dense<0.000000e+00> : vector<5000x2xf32>
    %dot_general3A_80 = tpu.matmul %add3A_50, %concatenate3A_70, %dot_general3A_79 {dimension_numbers = #tpu.dot_dimension_numbers<[1], [0], [0], [1], [0, 0, 1, 1], [], []>, transpose_lhs_hint = false} : vector<5000x40xf32>, vector<40x2xf32>, vector<5000x2xf32> -> vector<5000x2xf32>
    %add3A_81 = arith.addf %dot_general3A_78, %dot_general3A_80 : vector<5000x2xf32>
    %add3A_82 = vector.broadcast %concatenate3A_76 : vector<1x2xf32> to vector<5000x2xf32>
    %add3A_83 = arith.addf %add3A_81, %add3A_82 : vector<5000x2xf32>
    %swap3A_84 = arith.constant 0 : index
    %swap3A_85 = arith.constant 0 : index
    %swap3A_86 = vector.load %arg12[%swap3A_84, %swap3A_85] : memref<5000x2xf32, #tpu.memory_space<vmem>>, vector<5000x2xf32>
    tpu.vector_store %arg12[%swap3A_84, %swap3A_85], %add3A_83 {strides = array<i32>} : memref<5000x2xf32, #tpu.memory_space<vmem>>, vector<5000x2xf32>,
    return
  }
  func.func @transform_0(%arg0: i32) -> (i32, i32) {
    %c0_i32 = arith.constant 0 : i32
    %c0_i32_0 = arith.constant 0 : i32
    return %arg0, %c0_i32 : i32, i32
  }
  func.func @transform_1(%arg0: i32) -> (i32, i32) {
    %c0_i32 = arith.constant 0 : i32
    %c0_i32_0 = arith.constant 0 : i32
    return %arg0, %c0_i32 : i32, i32
  }
  func.func @transform_2(%arg0: i32) -> (i32, i32) {
    %c0_i32 = arith.constant 0 : i32
    %c0_i32_0 = arith.constant 0 : i32
    %c0_i32_1 = arith.constant 0 : i32
    return %c0_i32, %c0_i32_0 : i32, i32
  }
  func.func @transform_3(%arg0: i32) -> (i32, i32) {
    %c0_i32 = arith.constant 0 : i32
    %c0_i32_0 = arith.constant 0 : i32
    %c0_i32_1 = arith.constant 0 : i32
    return %c0_i32, %c0_i32_0 : i32, i32
  }
  func.func @transform_4(%arg0: i32) -> (i32, i32) {
    %c0_i32 = arith.constant 0 : i32
    %c0_i32_0 = arith.constant 0 : i32
    %c0_i32_1 = arith.constant 0 : i32
    return %c0_i32, %c0_i32_0 : i32, i32
  }
  func.func @transform_5(%arg0: i32) -> (i32, i32) {
    %c0_i32 = arith.constant 0 : i32
    %c0_i32_0 = arith.constant 0 : i32
    %c0_i32_1 = arith.constant 0 : i32
    return %c0_i32, %c0_i32_0 : i32, i32
  }
  func.func @transform_6(%arg0: i32) -> (i32, i32) {
    %c0_i32 = arith.constant 0 : i32
    %c0_i32_0 = arith.constant 0 : i32
    %c0_i32_1 = arith.constant 0 : i32
    return %c0_i32, %c0_i32_0 : i32, i32
  }
  func.func @transform_7(%arg0: i32) -> (i32, i32) {
    %c0_i32 = arith.constant 0 : i32
    %c0_i32_0 = arith.constant 0 : i32
    %c0_i32_1 = arith.constant 0 : i32
    return %c0_i32, %c0_i32_0 : i32, i32
  }
  func.func @transform_8(%arg0: i32) -> (i32, i32) {
    %c0_i32 = arith.constant 0 : i32
    %c0_i32_0 = arith.constant 0 : i32
    %c0_i32_1 = arith.constant 0 : i32
    return %c0_i32, %c0_i32_0 : i32, i32
  }
  func.func @transform_9(%arg0: i32) -> (i32, i32) {
    %c0_i32 = arith.constant 0 : i32
    %c0_i32_0 = arith.constant 0 : i32
    %c0_i32_1 = arith.constant 0 : i32
    return %c0_i32, %c0_i32_0 : i32, i32
  }
  func.func @transform_10(%arg0: i32) -> (i32, i32) {
    %c0_i32 = arith.constant 0 : i32
    %c0_i32_0 = arith.constant 0 : i32
    return %arg0, %c0_i32 : i32, i32
  }
  func.func @transform_11(%arg0: i32) -> (i32, i32) {
    %c0_i32 = arith.constant 0 : i32
    %c0_i32_0 = arith.constant 0 : i32
    return %arg0, %c0_i32 : i32, i32
  }
}

</mosaic_0001>

<sc_bundles>
// kernel: kernel.4.cloned.1.call-start
scs
__scs_entry_jumppad:
0x0: {  	(pc) =	sbr.rel $0x88, $3  }
0x1: {  	(tag) =	ssettag $0x0;
	lr =	simm.s32 $0x1  }
0x2: {  	[smem:$0x3F95] =	sst lr;
	_ =	strace $0xD0000000  }
0x3: {  	_ = 	snop  }
0x4: {  	_ = 	snop  }
0x5: {  	_ = 	snop  }
0x6: {  	_ = 	snop  }
0x7: {  	_ = 	snop  }
__scs_overlays_trampoline_lowered:
0x8: {  	[smem:$0x3FA4] =	sst s0  }
0x9: {  	[smem:$0x3FA5] =	sst s1  }
0xa: {  	[smem:$0x3FA6] =	sst s2  }
0xb: {  	[smem:$0x3FA7] =	sst s3  }
0xc: {  	[smem:$0x3FA8] =	sst s4  }
0xd: {  	[smem:$0x3FA9] =	sst s5  }
0xe: {  	[smem:$0x3FAA] =	sst s6  }
0xf: {  	[smem:$0x3FAB] =	sst s7  }
0x10: {  	[smem:$0x3FAC] =	sst s8  }
0x11: {  	[smem:$0x3FAD] =	sst s9;
	s0 =	simm.s32 @!p0 $0x0  }
0x12: {  	s1 =	sld [smem:$0x3F93];
	s0 =	simm.s32 @p0 $0x1  }
0x13: {  	[smem:$0x3FAE] =	sst s0;
	s0 =	simm.s32 @!p1 $0x0  }
0x14: {  	s2 =	sld [smem:$0x3F92];
	s0 =	simm.s32 @p1 $0x1  }
0x15: {  	[smem:$0x3FAF] =	sst s0;
	s0 =	simm.s32 @!p2 $0x0  }
0x16: {  	s3 =	sld [smem:$0x3FDB];
	s0 =	simm.s32 @p2 $0x1  }
0x17: {  	s4 =	simm.s32 $0x1BF5;
	[smem:$0x3FB1] =	sst s0  }
0x18: {  	s0 =	sld [smem:$0x3F94];
	_ =	swait.ge [sflag:s4], $0x0  }
0x19: {  	s7 =	sld [smem:$0x3F95]  }
0x1a: {  	s8 =	sadd.s32 $0xFFFFE003, lr  }
0x1b: {  	s9 =	sadd.s32 $0xFFFFFEF7, lr;
	s5 =	simm.s32 $0xFFFFFFFF;
	p2 =	slt.u32 s8, $0xFFFFF086  }
0x1c: {  	p1 =	slt.u32 s9, $0xF7A;
	s5 =	simm.s32 @!p2 $0x0  }
0x1d: {  	s5 =	simm.s32 @p1 $0x1;
	p0 =	seq.s32 s7, s2  }
0x1e: {  	s7 =	smul.u32 @!p0 $0xF7A, s2;
	p2 =	seq.s32 @!p0 s5, $0x0  }
0x1f: {  	s9 =	smul.u32 $0xF7A, s1;
	s8 =	simm.s32 @!p0 $0x1BF5;
	p2 =	por !p2, p0  }
0x20: {  	[sflag:s8] =	ssyncset.s32 @!p0 $0xFFFFF086;
	s6 =	sadd.s32 @!p0 s3, s7;
	s7 =	simm.s32 @!p0 $0x108  }
0x21: {  	s3 =	sadd.s32 s3, s9;
	s6 =	sadd.s32 @!p0 $0x88, s6;
	s7 =	simm.s32 @p2 $0x1082  }
0x22: {  	[simem:s7], [sflag:s8] =	dma.local @!p0 [hbm:s6], $0xF7A  }
0x23: {  	s9 =	sor.u32 $0xD0000000, s2;
	s6 =	simm.s32 $0x108;
	_ =	swait.ge @!p0 [sflag:s8], $0x0  }
0x24: {  	s3 =	sadd.s32 $0x88, s3;
	s6 =	simm.s32 @!p1 $0x1082;
	[sflag:s4] =	ssyncset.s32 $0xFFFFF086  }
0x25: {  	[simem:s6], [sflag:s4] =	dma.local [hbm:s3], $0xF7A  }
0x26: {  	[smem:$0x3F95] =	sst s1;
	(tag) =	ssettag s2;
	_ =	strace s9  }
0x27: {  	s1 =	sld [smem:$0x3FA5]  }
0x28: {  	s2 =	sld [smem:$0x3FA6]  }
0x29: {  	s4 =	sld [smem:$0x3FA8]  }
0x2a: {  	p0 =	seq.s32 s5, $0x0;
	s5 =	sld [smem:$0x3FA9]  }
0x2b: {  	s6 =	sld [smem:$0x3FAA]  }
0x2c: {  	s7 =	sld [smem:$0x3FAB]  }
0x2d: {  	s3 =	simm.s32 $0x108;
	s8 =	sld [smem:$0x3FAC]  }
0x2e: {  	s3 =	simm.s32 @!p0 $0x1082;
	s9 =	sld [smem:$0x3FAD]  }
0x2f: {  	lr =	sadd.s32 s0, s3;
	s0 =	sld [smem:$0x3FA4]  }
0x30: {  	s3 =	sld [smem:$0x3FA7]  }
0x31: {  	[smem:$0x3FB0] =	sst s10  }
0x32: {  	s10 =	sld [smem:$0x3FAE];
	_ =	sdelay $0x3  }
0x33: {  	p0 =	seq.s32 s10, $0x1;
	s10 =	sld [smem:$0x3FB0];
	_ =	sdelay $0x3  }
0x34: {  	[smem:$0x3FB0] =	sst s10  }
0x35: {  	s10 =	sld [smem:$0x3FAF];
	_ =	sdelay $0x3  }
0x36: {  	p1 =	seq.s32 s10, $0x1;
	s10 =	sld [smem:$0x3FB0];
	_ =	sdelay $0x3  }
0x37: {  	[smem:$0x3FB0] =	sst s10  }
0x38: {  	s10 =	sld [smem:$0x3FB1]  }
0x39: {  	_ = 	snop;
	(pc) =	sbr.ind lr, $3  }
0x3a: {  	_ = 	snop  }
0x3b: {  	_ = 	snop  }
0x3c: {  	p2 =	seq.s32 s10, $0x1;
	s10 =	sld [smem:$0x3FB0]  }
0x3d: {  	_ =	shalt  }
0x3e: {  	_ =	shalt  }
0x3f: {  	_ =	shalt  }
0x40: {  	_ =	shalt  }
0x41: {  	_ =	shalt  }
0x42: {  	_ =	shalt  }
0x43: {  	_ =	shalt  }
0x44: {  	_ =	shalt  }
0x45: {  	_ =	shalt  }
0x46: {  	_ =	shalt  }
0x47: {  	_ =	shalt  }
0x48: {  	_ =	shalt  }
0x49: {  	_ =	shalt  }
0x4a: {  	_ =	shalt  }
0x4b: {  	_ =	shalt  }
0x4c: {  	_ =	shalt  }
0x4d: {  	_ =	shalt  }
0x4e: {  	_ =	shalt  }
0x4f: {  	_ =	shalt  }
0x50: {  	_ =	shalt  }
0x51: {  	_ =	shalt  }
0x52: {  	_ =	shalt  }
0x53: {  	_ =	shalt  }
0x54: {  	_ =	shalt  }
0x55: {  	_ =	shalt  }
0x56: {  	_ =	shalt  }
0x57: {  	_ =	shalt  }
0x58: {  	_ =	shalt  }
0x59: {  	_ =	shalt  }
0x5a: {  	_ =	shalt  }
0x5b: {  	_ =	shalt  }
0x5c: {  	_ =	shalt  }
0x5d: {  	_ =	shalt  }
0x5e: {  	_ =	shalt  }
0x5f: {  	_ =	shalt  }
0x60: {  	_ =	shalt  }
0x61: {  	_ =	shalt  }
0x62: {  	_ =	shalt  }
0x63: {  	_ =	shalt  }
0x64: {  	_ =	shalt  }
0x65: {  	_ =	shalt  }
0x66: {  	_ =	shalt  }
0x67: {  	_ =	shalt  }
0x68: {  	_ =	shalt  }
0x69: {  	_ =	shalt  }
0x6a: {  	_ =	shalt  }
0x6b: {  	_ =	shalt  }
0x6c: {  	_ =	shalt  }
0x6d: {  	_ =	shalt  }
0x6e: {  	_ =	shalt  }
0x6f: {  	_ =	shalt  }
0x70: {  	_ =	shalt  }
0x71: {  	_ =	shalt  }
0x72: {  	_ =	shalt  }
0x73: {  	_ =	shalt  }
0x74: {  	_ =	shalt  }
0x75: {  	_ =	shalt  }
0x76: {  	_ =	shalt  }
0x77: {  	_ =	shalt  }
0x78: {  	_ =	shalt  }
0x79: {  	_ =	shalt  }
0x7a: {  	_ =	shalt  }
0x7b: {  	_ =	shalt  }
0x7c: {  	_ =	shalt  }
0x7d: {  	_ =	shalt  }
0x7e: {  	_ =	shalt  }
0x7f: {  	_ =	shalt  }
0x80: {  	_ =	shalt  }
0x81: {  	_ =	shalt  }
0x82: {  	_ =	shalt  }
0x83: {  	_ =	shalt  }
0x84: {  	_ =	shalt  }
0x85: {  	_ =	shalt  }
0x86: {  	_ =	shalt  }
0x87: {  	_ =	shalt  }
.Lfunc_end0:
.L_simem_size_0:
called_computation_lowered:
.L_overlay_start_0:
0x88: {  	s2 =	sld [smem:$0x3FD9]  }
0x89: {  	s3 =	sld [smem:$0x3FFE];
	_ =	sdelay $0x1  }
0x8a: {  	s1 =	srdreg.scid  }
0x8b: {  	s0 =	sand.u32 $0x1, s1  }
0x8c: {  	s14 =	sshll.u32 s0, $0xA;
	s2 =	sadd.s32 s3, s2  }
0x8d: {  	s2 =	sadd.s32 s2, s14  }
0x8e: {  	[smem:$0x3FBC] =	sst s2  }
0x8f: {  	_ = 	snop  }
0x90: {  	s2 =	sld [smem:$0x3FD0];
	_ =	sdelay $0x2  }
0x91: {  	s15 =	simm.s32 $0xA;
	s4 =	simm.s32 $0x10  }
0x92: {  	[smem:s4], [sflag:s15] =	dma.local [hbm:s2], $0x1  }
0x93: {  	_ =	swait.eq [sflag:s15], $0x1  }
0x94: {  	[sflag:s15] =	ssyncset.done $0x0  }
0x95: {  	[sflag:s15] =	ssyncadd.s32 $0xFFFFFFFF  }
0x96: {  	s16 =	sld [smem:$0x11];
	(tm) =	ssettm $0x1  }
0x97: {  	s17 =	sld [smem:$0x3FFB];
	_ =	sdelay $0x3  }
0x98: {  	_ =	strace s17  }
0x99: {  	s3 =	sld [smem:$0x3FFC];
	_ =	sdelay $0x3  }
0x9a: {  	_ =	strace s3  }
0x9b: {  	s3 =	sld [smem:$0x3FFD];
	_ =	sdelay $0x3  }
0x9c: {  	_ =	strace s3  }
0x9d: {  	_ =	strace $0x8FFFFFFF  }
0x9e: {  	s18 =	sld [smem:$0x3FDB];
	_ =	sdelay $0x1  }
0x9f: {  	s19 =	simm.s32 $_scs_section_size  }
0xa0: {  	s5 =	simm.s32 $_size__tile_overlayer_lowered;
	s6 =	simm.s32 $_tile_overlayer_lowered  }
0xa1: {  	s22 =	simm.s32 $0x1BFF;
	s21 =	sshll.u32 s6, $0x1;
	s3 =	sadd.s32 s19, s18  }
0xa2: {  	s7 =	simm.s32 $0x0;
	s20 =	sshll.u32 s5, $0x1;
	s5 =	sadd.s32 s21, s3  }
0xa3: {  	[timem:s7], [sflag:s22] =	dma.local [hbm:s5], s20  }
0xa4: {  	_ =	swait.ge [sflag:s22], s20  }
0xa5: {  	s4 =	ssub.s32 $0x0, s20;
	[sflag:s22] =	ssyncset.done $0x0  }
0xa6: {  	[sflag:s22] =	ssyncadd.s32 s4;
	_ =	sdelay $0x1  }
0xa7: {  	s23 =	simm.s32 $0x1B8B  }
0xa8: {  	_ =	swait.ge [sflag:s23], $0x1  }
0xa9: {  	[sflag:s23] =	ssyncset.done $0x0  }
0xaa: {  	s25 =	simm.s32 $0x1B8E;
	s24 =	sld [smem:$0x3FFE];
	[sflag:s23] =	ssyncadd.s32 $0xFFFFFFFF  }
0xab: {  	s26 =	simm.s32 $execute0_lowered;
	[smem:$0x3FD2] =	sst s25  }
0xac: {  	s5 =	sshll.u32 s26, $0x1;
	_ =	strace $0x80000046;
	[dreg:$0x1] =	wrdreg $0xFFFFFFFF  }
0xad: {  	s28 =	simm.s32 $_size_execute0_lowered;
	s3 =	sadd.s32 s3, s5;
	[dreg:$0x0] =	wrdreg $0x0  }
0xae: {  	s5 =	sshll.u32 s28, $0x1;
	[dreg:$0x2] =	wrdreg s3  }
0xaf: {  	[dreg:$0x3] =	wrdreg s5  }
0xb0: {  	[dreg:$0x4] =	wrdreg $0xC0  }
0xb1: {  	_ =	task [dreg:s7], $0x5FFFF  }
0xb2: {  	[dreg:$0x1] =	wrdreg $0xFFFFFFFF  }
0xb3: {  	[dreg:$0x0] =	wrdreg $0x60  }
0xb4: {  	[dreg:$0x2] =	wrdreg s16  }
0xb5: {  	[dreg:$0x3] =	wrdreg s24  }
0xb6: {  	[dreg:$0x4] =	wrdreg $0x9  }
0xb7: {  	_ =	task.clear_ibuf [dreg:s7], $0x5FFFF;
	_ =	strace $0x90000046  }
0xb8: {  	s29 =	simm.s32 $0x9;
	_ =	strace $0x80000048  }
0xb9: {  	_ =	swait.ge [sflag:s29], $0x1  }
0xba: {  	[sflag:s29] =	ssyncadd.s32 $0xFFFFFFFF  }
0xbb: {  	_ =	strace $0x90000048  }
0xbc: {  	_ =	sfence  }
0xbd: {  	s30 =	sld [smem:$0x0];
	_ =	sdelay $0x2  }
0xbe: {  	s31 =	sshll.u32 s1, $0xD;
	s1 =	sshrl.u32 s1, $0x2  }
0xbf: {  	s3 =	sand.u32 $0x4000, s31;
	s1 =	sadd.s32 s1, s30  }
0xc0: {  	s0 =	sor.u32 s3, s0;
	s1 =	sshll.u32 s1, $0x11  }
0xc1: {  	s0 =	sor.u32 s1, s0  }
0xc2: {  	s0 =	sadd.s32 $0x8F2B, s0  }
0xc3: {  	[sflag:s0] =	ssyncadd.remote.s32 $0x1  }
0xc4: {  	_ =	sfence.sel $0xFFFF  }
0xc5: {  	[dreg:$0x0] =	wrdreg $0xFFFFFFFF;
	(pc) =	sbr.abs _section_cstart, $3  }
0xc6: {  	[dreg:$0x1] =	wrdreg $0xFFFFFFFF  }
0xc7: {  	_ =	task.clear_ibuf [dreg:s7], $0x2FFFF;
	_ =	strace $0x9FFFFFFF  }
0xc8: {  	(tm) =	ssettm $0x7FFFFFFF  }
0xc9: {  	_ =	shalt  }
tec
execute0_lowered:
.L_overlay_start_1:
0x0: {  	(tag) =	ssettag $0x1  }
0x1: {  	s1 =	srdreg.scid;
	s2 =	rddreg [dreg:$0x0]  }
0x2: {  	s0 =	stileid.u32;
	s5 =	rddreg [dreg:$0x1]  }
0x3: {  	s3 =	simm.s32 $0x0;
	s11 =	simm.s32 $0x4E20;
	s12 =	simm.s32 $0x7530  }
0x4: {  	s13 =	simm.s32 $0x9C40;
	s14 =	simm.s32 $0xC350;
	s15 =	simm.s32 $0x1  }
0x5: {  	s16 =	simm.s32 $0xEA60;
	s4 =	sand.u32 $0x1, s1;
	s30 =	sshll.u32 s0, $0x1  }
0x6: {  	s17 =	simm.s32 $0x2;
	s18 =	simm.s32 $0x11170;
	s1 =	sor.u32 s4, s30  }
0x7: {  	s19 =	simm.s32 $0x3;
	s4 =	ssub.s32 $0x2, s4;
	s6 =	smul.u32 $0x2710, s1  }
0x8: {  	s20 =	simm.s32 $0x0;
	[smem:$0x7FF] =	sst s3;
	s31 =	sshrl.u32 s4, $0x1  }
0x9: {  	s1 =	rddreg [dreg:$0x2];
	s10 =	ssub.s32 s4, s31;
	s6 =	sshrl.u32 s6, $0x3  }
0xa: {  	_ =	strace $0x80000047;
	s10 =	smax.u32 s10, $0x1;
	s9 =	sadd.s32 s6, s5  }
0xb: {  	s4 =	sadd.s32 $0x2200, s9;
	s5 =	sadd.s32 $0xBE40, s9;
	s6 =	sadd.s32 $0x1FA00, s9  }
0xc: {  	s7 =	sadd.s32 $0x15C00, s9;
	s8 =	sadd.s32 $0x29800, s9;
	s9 =	sadd.s32 $0x33600, s9  }
.LBB2_1:
0xd: {  	[tilespmem:s3], [sflag:$0x1] =	stream.linear.gather [hbm4b:s2+s3], $0x4E20, $0x38;
	[tilespmem:$0x13880] =	vst v63  }
0xe: {  	_ = 	snop  }
0xf: {  	[tilespmem:s11], [sflag:$0x1] =	stream.linear.gather [hbm4b:s4+s3], $0x2710, $0x38;
	[tilespmem:$0x13880] =	vst v63  }
0x10: {  	_ = 	snop  }
0x11: {  	[tilespmem:s12], [sflag:$0x1] =	stream.linear.gather [hbm4b:s5+s3], $0x2710, $0x38;
	[tilespmem:$0x13880] =	vst v63  }
0x12: {  	_ = 	snop  }
0x13: {  	[tilespmem:s13], [sflag:$0x2] =	stream.linear.gather [hbm4b:s6+s3], $0x2710, $0x38;
	[tilespmem:$0x13880] =	vst v63  }
0x14: {  	_ = 	snop  }
0x15: {  	[tilespmem:s14], [sflag:$0x2] =	stream.linear.gather [hbm4b:s7+s3], $0x2710, $0x38;
	[tilespmem:$0x13880] =	vst v63  }
0x16: {  	_ =	swait.ge [sflag:s15], $0x4E20  }
0x17: {  	[sflag:s15] =	ssyncset.done $0x0  }
0x18: {  	[sflag:s15] =	ssyncadd.s32 $0xFFFFB1E0  }
0x19: {  	_ =	swait.ge [sflag:s15], $0x2710  }
0x1a: {  	[sflag:s15] =	ssyncset.done $0x0  }
0x1b: {  	[sflag:s15] =	ssyncadd.s32 $0xFFFFD8F0  }
0x1c: {  	_ =	swait.ge [sflag:s15], $0x2710  }
0x1d: {  	[sflag:s15] =	ssyncset.done $0x0  }
0x1e: {  	s21 =	simm.s32 $0x4E40;
	[sflag:s15] =	ssyncadd.s32 $0xFFFFD8F0  }
0x1f: {  	s22 =	simm.s32 $0x7550;
	v0 =	vld [tilespmem:s21+$0x10]  }
0x20: {  	v2 =	vld [tilespmem:s22+$0xFFFFFFE0]  }
0x21: {  	v3 =	vld [tilespmem:s22+$0xFFFFFFF0]  }
0x22: {  	v4 =	vld [tilespmem:s22+$0x0];
	_ =	sdelay $0x2  }
0x23: {  	v1 =	vld [tilespmem:s22+$0x10];
	v0 =	vshll.u32 v0, $0x1;
	v2 =	vshll.u32 v2, $0x1  }
0x24: {  	v5 =	vld [tilespmem:s21+$0xFFFFFFF0];
	v3 =	vshll.u32 v3, $0x1;
	v2 =	vor.u32 $0x1, v2  }
0x25: {  	v6 =	vld [tilespmem:s21+$0x0];
	v4 =	vshll.u32 v4, $0x1;
	v3 =	vor.u32 $0x1, v3  }
0x26: {  	s31 =	simm.s32 $0x4E80;
	v7 =	vld [tilespmem:s21+$0xFFFFFFE0];
	v4 =	vor.u32 $0x1, v4  }
0x27: {  	v13 =	vld [tilespmem:s31+$0xFFFFFFF0]  }
0x28: {  	v10 =	vld.idx.msk [tilespmem:v0+s3+$0x0], $0xffff  }
0x29: {  	v11 =	vld.idx.msk [tilespmem:v2+s3+$0x0], $0xffff  }
0x2a: {  	v12 =	vld.idx.msk [tilespmem:v3+s3+$0x0], $0xffff  }
0x2b: {  	v0 =	vld.idx.msk [tilespmem:v4+s3+$0x0], $0xffff  }
0x2c: {  	s21 =	simm.s32 $0x7590;
	v2 =	vld [tilespmem:s31+$0x10]  }
0x2d: {  	v3 =	vld [tilespmem:s21+$0x10]  }
0x2e: {  	v1 =	vshll.u32 v1, $0x1;
	v7 =	vshll.u32 v7, $0x1;
	v4 =	vld [tilespmem:s21+$0xFFFFFFE0]  }
0x2f: {  	v8 =	vld [tilespmem:s21+$0xFFFFFFF0];
	v1 =	vor.u32 $0x1, v1  }
0x30: {  	v9 =	vld [tilespmem:s21+$0x0];
	v5 =	vshll.u32 v5, $0x1  }
0x31: {  	v14 =	vld [tilespmem:s31+$0x0];
	v6 =	vshll.u32 v6, $0x1  }
0x32: {  	v15 =	vld [tilespmem:s31+$0xFFFFFFE0];
	v2 =	vshll.u32 v2, $0x1;
	v3 =	vshll.u32 v3, $0x1  }
0x33: {  	v7 =	vld.idx.msk [tilespmem:v7+s3+$0x0], $0xffff;
	v4 =	vshll.u32 v4, $0x1;
	v3 =	vor.u32 $0x1, v3  }
0x34: {  	v1 =	vld.idx.msk [tilespmem:v1+s3+$0x0], $0xffff;
	v16 =	vor.u32 $0x1, v4;
	v4 =	vshll.u32 v8, $0x1  }
0x35: {  	v18 =	vld.idx.msk [tilespmem:v5+s3+$0x0], $0xffff;
	v17 =	vor.u32 $0x1, v4;
	v4 =	vshll.u32 v9, $0x1  }
0x36: {  	v9 =	vld.idx.msk [tilespmem:v6+s3+$0x0], $0xffff;
	v19 =	vor.u32 $0x1, v4  }
0x37: {  	v4 =	vld.idx.msk [tilespmem:v2+s3+$0x0], $0xffff  }
0x38: {  	v8 =	vld.idx.msk [tilespmem:v3+s3+$0x0], $0xffff  }
0x39: {  	v3 =	vadd.f32 v1, v10;
	v5 =	vld.idx.msk [tilespmem:v16+s3+$0x0], $0xffff  }
0x3a: {  	s22 =	simm.s32 $0xEA80;
	v2 =	vshll.u32 v14, $0x1;
	v10 =	vadd.f32 v11, v7;
	v6 =	vld.idx.msk [tilespmem:v17+s3+$0x0], $0xffff  }
0x3b: {  	s23 =	simm.s32 $0x40;
	s24 =	simm.s32 $0x4EC0;
	v1 =	vshll.u32 v13, $0x1;
	v11 =	vadd.f32 v12, v18;
	[tilespmem:s22+$0x10] =	vst v3;
	v3 =	vshll.u32 v15, $0x1;
	v7 =	vld.idx.msk [tilespmem:v19+s3+$0x0], $0xffff  }
.LBB2_2:
0x3c: {  	v12 =	vld [tilespmem:s24+$0x10];
	s21 =	sadd.s32 $0x40, s21;
	[tilespmem:s22+$0xFFFFFFE0] =	vst v10;
	v0 =	vadd.f32 v0, v9  }
0x3d: {  	s23 =	sadd.s32 $0x40, s23;
	v9 =	vld [tilespmem:s21+$0x10];
	[tilespmem:s22+$0xFFFFFFF0] =	vst v11  }
0x3e: {  	p0 =	slt.u32 s23, $0x26C0;
	v4 =	vadd.f32 v8, v4;
	v10 =	vld [tilespmem:s21+$0xFFFFFFE0];
	[tilespmem:s22+$0x0] =	vst v0  }
0x3f: {  	s22 =	sadd.s32 $0x40, s22;
	v11 =	vmov v5;
	v8 =	vld [tilespmem:s21+$0xFFFFFFF0]  }
0x40: {  	v13 =	vmov v6;
	v5 =	vld [tilespmem:s21+$0x0];
	[tilespmem:s22+$0x10] =	vst v4  }
0x41: {  	v0 =	vmov v7;
	v4 =	vld [tilespmem:s24+$0xFFFFFFF0]  }
0x42: {  	v7 =	vshll.u32 v12, $0x1;
	v6 =	vld [tilespmem:s24+$0x0];
	v9 =	vshll.u32 v9, $0x1  }
0x43: {  	v12 =	vld [tilespmem:s24+$0xFFFFFFE0];
	v10 =	vshll.u32 v10, $0x1;
	v14 =	vor.u32 $0x1, v9  }
0x44: {  	v10 =	vor.u32 $0x1, v10;
	v8 =	vshll.u32 v8, $0x1;
	v15 =	vld.idx.msk [tilespmem:v3+s3+$0x0], $0xffff  }
0x45: {  	v16 =	vor.u32 $0x1, v8;
	v3 =	vshll.u32 v5, $0x1;
	v17 =	vld.idx.msk [tilespmem:v1+s3+$0x0], $0xffff  }
0x46: {  	v1 =	vshll.u32 v4, $0x1;
	v18 =	vor.u32 $0x1, v3;
	v9 =	vld.idx.msk [tilespmem:v2+s3+$0x0], $0xffff  }
.Ltmp0:
0x47: {  	v2 =	vshll.u32 v6, $0x1;
	v4 =	vld.idx.msk [tilespmem:v7+s3+$0x0], $0xffff;
	(pc) =	sbr.rel @p0 .LBB2_2-.Ltmp0, $4  }
0x48: {  	v3 =	vshll.u32 v12, $0x1;
	v8 =	vld.idx.msk [tilespmem:v14+s3+$0x0], $0xffff  }
0x49: {  	v5 =	vld.idx.msk [tilespmem:v10+s3+$0x0], $0xffff  }
0x4a: {  	v10 =	vadd.f32 v11, v15;
	v6 =	vld.idx.msk [tilespmem:v16+s3+$0x0], $0xffff  }
0x4b: {  	s24 =	sadd.s32 $0x40, s24;
	v11 =	vadd.f32 v13, v17;
	v7 =	vld.idx.msk [tilespmem:v18+s3+$0x0], $0xffff  }
0x4c: {  	_ =	sdelay $0x3  }
0x4d: {  	v3 =	vld.idx.msk [tilespmem:v3+s3+$0x0], $0xffff  }
0x4e: {  	v1 =	vld.idx.msk [tilespmem:v1+s3+$0x0], $0xffff  }
0x4f: {  	v2 =	vld.idx.msk [tilespmem:v2+s3+$0x0], $0xffff  }
0x50: {  	[tilespmem:s22+$0xFFFFFFE0] =	vst v10;
	v0 =	vadd.f32 v0, v9  }
0x51: {  	[tilespmem:s22+$0xFFFFFFF0] =	vst v11;
	v4 =	vadd.f32 v8, v4  }
0x52: {  	s21 =	sadd.s32 $0x40, s22;
	[tilespmem:s22+$0x0] =	vst v0;
	v0 =	vadd.f32 v5, v3  }
0x53: {  	[tilespmem:s21+$0x10] =	vst v4;
	v1 =	vadd.f32 v6, v1  }
0x54: {  	[tilespmem:s21+$0xFFFFFFE0] =	vst v0;
	v0 =	vadd.f32 v7, v2  }
0x55: {  	[tilespmem:s21+$0xFFFFFFF0] =	vst v1  }
0x56: {  	[tilespmem:s21+$0x0] =	vst v0  }
0x57: {  	v0 =	vld [tilespmem:$0x7520]  }
0x58: {  	v1 =	vld [tilespmem:$0x9C30];
	_ =	sdelay $0x4  }
0x59: {  	v0 =	vshll.u32 v0, $0x1;
	v1 =	vshll.u32 v1, $0x1  }
0x5a: {  	v1 =	vor.u32 $0x1, v1;
	_ =	sdelay $0x3  }
0x5b: {  	v0 =	vld.idx.msk [tilespmem:v0+s3+$0x0], $0xffff  }
0x5c: {  	v1 =	vld.idx.msk [tilespmem:v1+s3+$0x0], $0xffff;
	_ =	sdelay $0x4  }
0x5d: {  	v0 =	vadd.f32 v1, v0;
	_ =	sdelay $0x1  }
0x5e: {  	[tilespmem:$0x11160] =	vst v0  }
0x5f: {  	[hbm4b:s8+s3] =	stream.linear.scatter [tilespmem:s16], [sflag:$0x1], $0x2710, $0x38;
	[tilespmem:$0x13880] =	vst v63  }
0x60: {  	_ =	swait.ge [sflag:s17], $0x2710  }
0x61: {  	[sflag:s17] =	ssyncset.done $0x0  }
0x62: {  	[sflag:s17] =	ssyncadd.s32 $0xFFFFD8F0  }
0x63: {  	_ =	swait.ge [sflag:s17], $0x2710  }
0x64: {  	[sflag:s17] =	ssyncset.done $0x0  }
0x65: {  	s29 =	simm.s32 $0x9C60;
	[sflag:s17] =	ssyncadd.s32 $0xFFFFD8F0  }
0x66: {  	s30 =	simm.s32 $0xC370;
	v0 =	vld [tilespmem:s29+$0x10]  }
0x67: {  	v2 =	vld [tilespmem:s30+$0xFFFFFFE0]  }
0x68: {  	v3 =	vld [tilespmem:s30+$0xFFFFFFF0]  }
0x69: {  	v4 =	vld [tilespmem:s30+$0x0];
	_ =	sdelay $0x2  }
0x6a: {  	v1 =	vld [tilespmem:s30+$0x10];
	v0 =	vshll.u32 v0, $0x1;
	v2 =	vshll.u32 v2, $0x1  }
0x6b: {  	v5 =	vld [tilespmem:s29+$0xFFFFFFF0];
	v3 =	vshll.u32 v3, $0x1;
	v2 =	vor.u32 $0x1, v2  }
0x6c: {  	v6 =	vld [tilespmem:s29+$0x0];
	v4 =	vshll.u32 v4, $0x1;
	v3 =	vor.u32 $0x1, v3  }
0x6d: {  	s21 =	simm.s32 $0xC3B0;
	v7 =	vld [tilespmem:s29+$0xFFFFFFE0];
	v4 =	vor.u32 $0x1, v4  }
0x6e: {  	v8 =	vld [tilespmem:s21+$0xFFFFFFF0]  }
0x6f: {  	v10 =	vld.idx.msk [tilespmem:v0+s3+$0x0], $0xffff  }
0x70: {  	v11 =	vld.idx.msk [tilespmem:v2+s3+$0x0], $0xffff  }
0x71: {  	v12 =	vld.idx.msk [tilespmem:v3+s3+$0x0], $0xffff  }
0x72: {  	s31 =	simm.s32 $0x9CA0;
	v0 =	vld.idx.msk [tilespmem:v4+s3+$0x0], $0xffff  }
0x73: {  	v2 =	vld [tilespmem:s31+$0x10]  }
0x74: {  	v3 =	vld [tilespmem:s21+$0x10]  }
0x75: {  	v1 =	vshll.u32 v1, $0x1;
	v7 =	vshll.u32 v7, $0x1;
	v4 =	vld [tilespmem:s21+$0xFFFFFFE0]  }
0x76: {  	v9 =	vld [tilespmem:s21+$0x0];
	v1 =	vor.u32 $0x1, v1  }
0x77: {  	v13 =	vld [tilespmem:s31+$0xFFFFFFF0];
	v5 =	vshll.u32 v5, $0x1  }
0x78: {  	v14 =	vld [tilespmem:s31+$0x0];
	v6 =	vshll.u32 v6, $0x1  }
0x79: {  	v15 =	vld [tilespmem:s31+$0xFFFFFFE0];
	v2 =	vshll.u32 v2, $0x1;
	v3 =	vshll.u32 v3, $0x1  }
0x7a: {  	v7 =	vld.idx.msk [tilespmem:v7+s3+$0x0], $0xffff;
	v4 =	vshll.u32 v4, $0x1;
	v3 =	vor.u32 $0x1, v3  }
0x7b: {  	v1 =	vld.idx.msk [tilespmem:v1+s3+$0x0], $0xffff;
	v16 =	vor.u32 $0x1, v4;
	v4 =	vshll.u32 v8, $0x1  }
0x7c: {  	v18 =	vld.idx.msk [tilespmem:v5+s3+$0x0], $0xffff;
	v17 =	vor.u32 $0x1, v4;
	v4 =	vshll.u32 v9, $0x1  }
0x7d: {  	v9 =	vld.idx.msk [tilespmem:v6+s3+$0x0], $0xffff;
	v19 =	vor.u32 $0x1, v4  }
0x7e: {  	v4 =	vld.idx.msk [tilespmem:v2+s3+$0x0], $0xffff  }
0x7f: {  	v8 =	vld.idx.msk [tilespmem:v3+s3+$0x0], $0xffff  }
0x80: {  	v3 =	vadd.f32 v1, v10;
	v5 =	vld.idx.msk [tilespmem:v16+s3+$0x0], $0xffff  }
0x81: {  	s22 =	simm.s32 $0x11190;
	v2 =	vshll.u32 v14, $0x1;
	v10 =	vadd.f32 v11, v7;
	v6 =	vld.idx.msk [tilespmem:v17+s3+$0x0], $0xffff  }
0x82: {  	s23 =	simm.s32 $0x40;
	s24 =	simm.s32 $0x9CE0;
	v1 =	vshll.u32 v13, $0x1;
	v11 =	vadd.f32 v12, v18;
	[tilespmem:s22+$0x10] =	vst v3;
	v3 =	vshll.u32 v15, $0x1;
	v7 =	vld.idx.msk [tilespmem:v19+s3+$0x0], $0xffff  }
.LBB2_4:
0x83: {  	v12 =	vld [tilespmem:s24+$0x10];
	s21 =	sadd.s32 $0x40, s21;
	[tilespmem:s22+$0xFFFFFFE0] =	vst v10;
	v0 =	vadd.f32 v0, v9  }
0x84: {  	s23 =	sadd.s32 $0x40, s23;
	v9 =	vld [tilespmem:s21+$0x10];
	[tilespmem:s22+$0xFFFFFFF0] =	vst v11  }
0x85: {  	p0 =	slt.u32 s23, $0x26C0;
	v4 =	vadd.f32 v8, v4;
	v10 =	vld [tilespmem:s21+$0xFFFFFFE0];
	[tilespmem:s22+$0x0] =	vst v0  }
0x86: {  	s22 =	sadd.s32 $0x40, s22;
	v11 =	vmov v5;
	v8 =	vld [tilespmem:s21+$0xFFFFFFF0]  }
0x87: {  	v13 =	vmov v6;
	v5 =	vld [tilespmem:s21+$0x0];
	[tilespmem:s22+$0x10] =	vst v4  }
0x88: {  	v0 =	vmov v7;
	v4 =	vld [tilespmem:s24+$0xFFFFFFF0]  }
0x89: {  	v7 =	vshll.u32 v12, $0x1;
	v6 =	vld [tilespmem:s24+$0x0];
	v9 =	vshll.u32 v9, $0x1  }
0x8a: {  	v12 =	vld [tilespmem:s24+$0xFFFFFFE0];
	v10 =	vshll.u32 v10, $0x1;
	v14 =	vor.u32 $0x1, v9  }
0x8b: {  	v10 =	vor.u32 $0x1, v10;
	v8 =	vshll.u32 v8, $0x1;
	v15 =	vld.idx.msk [tilespmem:v3+s3+$0x0], $0xffff  }
0x8c: {  	v16 =	vor.u32 $0x1, v8;
	v3 =	vshll.u32 v5, $0x1;
	v17 =	vld.idx.msk [tilespmem:v1+s3+$0x0], $0xffff  }
0x8d: {  	v1 =	vshll.u32 v4, $0x1;
	v18 =	vor.u32 $0x1, v3;
	v9 =	vld.idx.msk [tilespmem:v2+s3+$0x0], $0xffff  }
.Ltmp1:
0x8e: {  	v2 =	vshll.u32 v6, $0x1;
	v4 =	vld.idx.msk [tilespmem:v7+s3+$0x0], $0xffff;
	(pc) =	sbr.rel @p0 .LBB2_4-.Ltmp1, $4  }
0x8f: {  	v3 =	vshll.u32 v12, $0x1;
	v8 =	vld.idx.msk [tilespmem:v14+s3+$0x0], $0xffff  }
0x90: {  	v5 =	vld.idx.msk [tilespmem:v10+s3+$0x0], $0xffff  }
0x91: {  	v10 =	vadd.f32 v11, v15;
	v6 =	vld.idx.msk [tilespmem:v16+s3+$0x0], $0xffff  }
0x92: {  	s24 =	sadd.s32 $0x40, s24;
	v11 =	vadd.f32 v13, v17;
	v7 =	vld.idx.msk [tilespmem:v18+s3+$0x0], $0xffff  }
0x93: {  	_ =	sdelay $0x3  }
0x94: {  	v3 =	vld.idx.msk [tilespmem:v3+s3+$0x0], $0xffff  }
0x95: {  	v1 =	vld.idx.msk [tilespmem:v1+s3+$0x0], $0xffff  }
0x96: {  	v2 =	vld.idx.msk [tilespmem:v2+s3+$0x0], $0xffff  }
0x97: {  	[tilespmem:s22+$0xFFFFFFE0] =	vst v10;
	v0 =	vadd.f32 v0, v9  }
0x98: {  	[tilespmem:s22+$0xFFFFFFF0] =	vst v11;
	v4 =	vadd.f32 v8, v4  }
0x99: {  	s21 =	sadd.s32 $0x40, s22;
	[tilespmem:s22+$0x0] =	vst v0;
	v62 =	vadd.f32 v5, v3  }
0x9a: {  	[tilespmem:s21+$0x10] =	vst v4;
	v1 =	vadd.f32 v6, v1  }
0x9b: {  	v63 =	vadd.f32 v7, v2;
	[tilespmem:s21+$0xFFFFFFE0] =	vst v62  }
0x9c: {  	[tilespmem:s21+$0xFFFFFFF0] =	vst v1  }
0x9d: {  	[tilespmem:s21+$0x0] =	vst v63  }
0x9e: {  	v0 =	vld [tilespmem:$0xC340]  }
0x9f: {  	v1 =	vld [tilespmem:$0xEA50];
	_ =	sdelay $0x4  }
0xa0: {  	v0 =	vshll.u32 v0, $0x1;
	v1 =	vshll.u32 v1, $0x1  }
0xa1: {  	v1 =	vor.u32 $0x1, v1;
	_ =	sdelay $0x3  }
0xa2: {  	v0 =	vld.idx.msk [tilespmem:v0+s3+$0x0], $0xffff  }
0xa3: {  	v1 =	vld.idx.msk [tilespmem:v1+s3+$0x0], $0xffff;
	_ =	sdelay $0x4  }
0xa4: {  	v0 =	vadd.f32 v1, v0;
	_ =	sdelay $0x1  }
0xa5: {  	[tilespmem:$0x13870] =	vst v0  }
0xa6: {  	s20 =	sadd.s32 $0x1, s20;
	_ =	swait.ge [sflag:s15], $0x2710  }
0xa7: {  	p0 =	sne.s32 s20, s10;
	[sflag:s15] =	ssyncset.done $0x0  }
.Ltmp2:
0xa8: {  	[sflag:s15] =	ssyncadd.s32 $0xFFFFD8F0;
	(pc) =	sbr.rel @p0 .LBB2_1-.Ltmp2, $4  }
0xa9: {  	[hbm4b:s9+s3] =	stream.linear.scatter [tilespmem:s18], [sflag:$0x3], $0x2710, $0x38;
	[tilespmem:$0x13880] =	vst v63  }
0xaa: {  	_ =	swait.ge [sflag:s19], $0x2710  }
0xab: {  	[sflag:s19] =	ssyncset.done $0x0  }
0xac: {  	[sflag:s19] =	ssyncadd.s32 $0xFFFFD8F0  }
0xad: {  	_ =	sfence.sel $0x180000  }
0xae: {  	[bflag:$0x0] =	sbarrier.arrive $0xFFFF  }
0xaf: {  	p0 =	sne.s32 s0, $0x0;
	_ =	strace $0x90000047  }
0xb0: {  	s0 =	sadd.s32 @!p0 $0x100000, s1;
	[bflag:$0x2] =	sbarrier.arrive $0xFFFF  }
0xb1: {  	[sflag:s0] =	ssyncadd.tile.s32 @!p0 $0x1;
	_ =	shalt  }
.Lfunc_end2:
_tile_overlayer_lowered:
.L_overlay_start_2:
0xb2: {  	(tag) =	ssettag $0x2  }
0xb3: {  	s0 =	rddreg [dreg:$0x0];
	s2 =	stileid.u32  }
0xb4: {  	s1 =	rddreg [dreg:$0x1];
	p0 =	sne.s32 s2, $0x0  }
0xb5: {  	s3 =	rddreg [dreg:$0x2];
	[bflag:$0x3] =	sbarrier.arrive $0xFFFF;
	s2 =	simm.s32 @!p0 $0x1C03  }
0xb6: {  	[timem:s3], [sflag:s2] =	dma.local @!p0 [hbm:s0], s1  }
0xb7: {  	s0 =	simm.s32 @!p0 $0x3  }
0xb8: {  	_ =	swait.ge @!p0 [sflag:s0], s1  }
0xb9: {  	s1 =	ssub.s32 @!p0 $0x0, s1;
	[sflag:s0] =	ssyncset.done @!p0 $0x0  }
0xba: {  	[sflag:s0] =	ssyncadd.s32 @!p0 s1  }
0xbb: {  	[bflag:$0x3] =	sbarrier.arrive $0xFFFF  }
0xbc: {  	_ =	shalt  }

</sc_bundles>
